<compile_context>
chip_gen: v7x
topology: tpu7x:2x2x1
jax: 0.10.2.dev20260603
libtpu: 0.0.44.dev20260713+nightly
codegen_flags: <defaults>
</compile_context>

<pallas_src>
import functools

import jax
import jax.numpy as jnp
from jax import lax
from jax.experimental import pallas as pl
from jax.experimental.pallas import tpu as pltpu
from jax.experimental.pallas import tpu_sc as plsc

FEATURE_DIM = 128
DATA_SIZE = 16384
BATCH = 32
T = 0.07
MOMENTUM = 0.5

ROW_BLK = 8192
NUM_BLKS = DATA_SIZE // ROW_BLK
LANES = 16
UNROLL = 4


def _scores_body(fringe_ref, phase_ref, fea_f_ref, fea_p_ref, y_ref,
                 sf_ref, sp_ref, uf_ref, up_ref):
    i = pl.program_id(0)
    fringe = fringe_ref[...]
    phase = phase_ref[...]
    ff = fea_f_ref[...]
    fp = fea_p_ref[...]
    inv_t = jnp.float32(1.0 / T)

    dn_t = (((1,), (1,)), ((), ()))
    sf_ref[...] = lax.dot_general(fp, fringe, dn_t,
                                  preferred_element_type=jnp.float32) * inv_t
    sp_ref[...] = lax.dot_general(ff, phase, dn_t,
                                  preferred_element_type=jnp.float32) * inv_t

    y = y_ref[...]
    r = y - i * ROW_BLK
    col = lax.broadcasted_iota(jnp.int32, (BATCH, ROW_BLK), 1)
    onehot = (col == r).astype(jnp.float32)

    @pl.when(i == 0)
    def _():
        uf_ref[...] = (1.0 - MOMENTUM) * ff
        up_ref[...] = (1.0 - MOMENTUM) * fp

    dn_g = (((1,), (0,)), ((), ()))
    uf_ref[...] += MOMENTUM * lax.dot_general(
        onehot, fringe, dn_g, preferred_element_type=jnp.float32)
    up_ref[...] += MOMENTUM * lax.dot_general(
        onehot, phase, dn_g, preferred_element_type=jnp.float32)

    @pl.when(i == NUM_BLKS - 1)
    def _():
        uf = uf_ref[...]
        up = up_ref[...]
        uf_ref[...] = uf / jnp.maximum(
            jnp.sqrt(jnp.sum(uf * uf, axis=1, keepdims=True)), 1e-30)
        up_ref[...] = up / jnp.maximum(
            jnp.sqrt(jnp.sum(up * up, axis=1, keepdims=True)), 1e-30)


def _scores_call(fringe, phase, ff, fp, yv):
    blk = (ROW_BLK, FEATURE_DIM)
    return pl.pallas_call(
        _scores_body,
        grid=(NUM_BLKS,),
        in_specs=[
            pl.BlockSpec(blk, lambda i: (i, 0)),
            pl.BlockSpec(blk, lambda i: (i, 0)),
            pl.BlockSpec((BATCH, FEATURE_DIM), lambda i: (0, 0)),
            pl.BlockSpec((BATCH, FEATURE_DIM), lambda i: (0, 0)),
            pl.BlockSpec((BATCH, 1), lambda i: (0, 0)),
        ],
        out_specs=[
            pl.BlockSpec((BATCH, ROW_BLK), lambda i: (0, i)),
            pl.BlockSpec((BATCH, ROW_BLK), lambda i: (0, i)),
            pl.BlockSpec((BATCH, FEATURE_DIM), lambda i: (0, 0)),
            pl.BlockSpec((BATCH, FEATURE_DIM), lambda i: (0, 0)),
        ],
        out_shape=[
            jax.ShapeDtypeStruct((BATCH, DATA_SIZE), jnp.float32),
            jax.ShapeDtypeStruct((BATCH, DATA_SIZE), jnp.float32),
            jax.ShapeDtypeStruct((BATCH, FEATURE_DIM), jnp.float32),
            jax.ShapeDtypeStruct((BATCH, FEATURE_DIM), jnp.float32),
        ],
        compiler_params=pltpu.CompilerParams(
            dimension_semantics=("arbitrary",),
        ),
    )(fringe, phase, ff, fp, yv)


def _update_body(fringe_ref, phase_ref, unf_ref, unp_ref, y_ref,
                 nf_ref, np_ref):
    i = pl.program_id(0)
    fringe = fringe_ref[...]
    phase = phase_ref[...]
    unf = unf_ref[...]
    unp = unp_ref[...]
    y = y_ref[...]
    r = y - i * ROW_BLK
    col = lax.broadcasted_iota(jnp.int32, (BATCH, ROW_BLK), 1)
    onehot = (col == r).astype(jnp.float32)

    yrow = jnp.reshape(y, (1, BATCH))
    eq = y == yrow
    later = (lax.broadcasted_iota(jnp.int32, (BATCH, BATCH), 1)
             > lax.broadcasted_iota(jnp.int32, (BATCH, BATCH), 0))
    dup_later = jnp.any(eq & later, axis=1, keepdims=True)
    oh = onehot * jnp.where(dup_later, 0.0, 1.0)

    dn_s = (((0,), (0,)), ((), ()))
    scat_f = lax.dot_general(oh, unf, dn_s, preferred_element_type=jnp.float32)
    scat_p = lax.dot_general(oh, unp, dn_s, preferred_element_type=jnp.float32)
    ones = jnp.ones((BATCH, FEATURE_DIM), jnp.float32)
    rowcnt = lax.dot_general(oh, ones, dn_s,
                             preferred_element_type=jnp.float32)
    nf_ref[...] = fringe * (1.0 - rowcnt) + scat_f
    np_ref[...] = phase * (1.0 - rowcnt) + scat_p


def _update_call(fringe, phase, unf, unp, yv):
    blk = (ROW_BLK, FEATURE_DIM)
    return pl.pallas_call(
        _update_body,
        grid=(NUM_BLKS,),
        in_specs=[
            pl.BlockSpec(blk, lambda i: (i, 0)),
            pl.BlockSpec(blk, lambda i: (i, 0)),
            pl.BlockSpec((BATCH, FEATURE_DIM), lambda i: (0, 0)),
            pl.BlockSpec((BATCH, FEATURE_DIM), lambda i: (0, 0)),
            pl.BlockSpec((BATCH, 1), lambda i: (0, 0)),
        ],
        out_specs=[
            pl.BlockSpec(blk, lambda i: (i, 0)),
            pl.BlockSpec(blk, lambda i: (i, 0)),
        ],
        out_shape=[
            jax.ShapeDtypeStruct((DATA_SIZE, FEATURE_DIM), jnp.float32),
            jax.ShapeDtypeStruct((DATA_SIZE, FEATURE_DIM), jnp.float32),
        ],
        compiler_params=pltpu.CompilerParams(
            dimension_semantics=("arbitrary",),
        ),
    )(fringe, phase, unf, unp, yv)


def _sc_gather(idx, sf, sp):
    mesh = plsc.VectorSubcoreMesh(core_axis_name="c", subcore_axis_name="s")
    info = plsc.get_sparse_core_info()
    n_cores = info.num_cores

    @functools.partial(
        pl.kernel,
        mesh=mesh,
        out_type=[
            jax.ShapeDtypeStruct((BATCH, DATA_SIZE), jnp.float32),
            jax.ShapeDtypeStruct((BATCH, DATA_SIZE), jnp.float32),
        ],
        scratch_types=[
            pltpu.VMEM((DATA_SIZE,), jnp.int32),
            pltpu.VMEM((DATA_SIZE,), jnp.float32),
            pltpu.VMEM((DATA_SIZE,), jnp.float32),
            pltpu.VMEM((DATA_SIZE,), jnp.float32),
            pltpu.VMEM((DATA_SIZE,), jnp.float32),
            pltpu.SemaphoreType.DMA,
        ],
        compiler_params=pltpu.CompilerParams(needs_layout_passes=False),
    )
    def k(idx_hbm, sf_hbm, sp_hbm, outp_hbm, outf_hbm,
          idx_v, sf_v, sp_v, outp_v, outf_v, sem):
        wid = lax.axis_index("s") * n_cores + lax.axis_index("c")
        c1 = pltpu.async_copy(idx_hbm.at[wid], idx_v, sem)
        c2 = pltpu.async_copy(sf_hbm.at[wid], sf_v, sem)
        c3 = pltpu.async_copy(sp_hbm.at[wid], sp_v, sem)
        c1.wait()
        c2.wait()
        c3.wait()

        def body(j, carry):
            base = j * (LANES * UNROLL)
            for u in range(UNROLL):
                o = base + u * LANES
                v_idx = idx_v[pl.ds(o, LANES)]
                outp_v[pl.ds(o, LANES)] = plsc.load_gather(sf_v, [v_idx])
                outf_v[pl.ds(o, LANES)] = plsc.load_gather(sp_v, [v_idx])
            return carry

        lax.fori_loop(0, DATA_SIZE // (LANES * UNROLL), body, 0)
        c4 = pltpu.async_copy(outp_v, outp_hbm.at[wid], sem)
        c5 = pltpu.async_copy(outf_v, outf_hbm.at[wid], sem)
        c4.wait()
        c5.wait()

    return k(idx, sf, sp)


def kernel(fea_f, fea_p, y, idx, memory_fringe, memory_phase):
    yv = y.astype(jnp.int32).reshape(BATCH, 1)
    idx32 = idx.astype(jnp.int32)
    sf, sp, unf, unp = _scores_call(
        memory_fringe, memory_phase, fea_f, fea_p, yv)
    out_phase, out_fringe = _sc_gather(idx32, sf, sp)
    new_fringe, new_phase = _update_call(
        memory_fringe, memory_phase, unf, unp, yv)
    return (out_fringe.reshape(BATCH, DATA_SIZE, 1),
            out_phase.reshape(BATCH, DATA_SIZE, 1),
            new_fringe, new_phase)

# --- scband reference (transcript-rebuilt; emitter-appended) ---
"""Pipeline reference for scband-feature-dict-6365141533098 (READ-ONLY COPY).

The authoritative reference and input builder live on the scoring server;
editing this copy changes nothing except your own understanding.
"""

import jax, jax.numpy as jnp
import numpy as np
import math

FEATURE_DIM = 128
DATA_SIZE = 16384
BATCH = 32
T = 0.07
MOMENTUM = 0.5


def setup_inputs(seed: int = 0) -> dict:
    key = jax.random.key(seed)
    k1, k2, k3, k4, k5, k6 = jax.random.split(key, 6)
    stdv = 1.0 / math.sqrt(FEATURE_DIM / 3)
    fea_f = jax.random.normal(k1, (BATCH, FEATURE_DIM), dtype=jnp.float32)
    fea_p = jax.random.normal(k2, (BATCH, FEATURE_DIM), dtype=jnp.float32)
    y = jax.random.randint(k3, (BATCH,), 0, DATA_SIZE)
    idx = jax.random.randint(k4, (BATCH, DATA_SIZE), 0, DATA_SIZE)
    memory_fringe = jax.random.uniform(k5, (DATA_SIZE, FEATURE_DIM), dtype=jnp.float32) * (2 * stdv) - stdv
    memory_phase = jax.random.uniform(k6, (DATA_SIZE, FEATURE_DIM), dtype=jnp.float32) * (2 * stdv) - stdv
    return {
        'fea_f': fea_f,
        'fea_p': fea_p,
        'y': y,
        'idx': idx,
        'memory_fringe': memory_fringe,
        'memory_phase': memory_phase,
    }


def reference(fea_f, fea_p, y, idx, memory_fringe, memory_phase):
    batchSize, feature_size = fea_f.shape
    Kp1 = idx.shape[1]  # == data_size, since self.K = data_size - 1 in the torch module
    flat_idx = idx.reshape(-1)

    # gather negative/positive keys from both memory banks (detached in torch)
    weight_fringe = jnp.take(memory_fringe, flat_idx, axis=0).reshape(batchSize, Kp1, feature_size)
    out_phase = jnp.matmul(weight_fringe, fea_p[:, :, None])
    weight_phase = jnp.take(memory_phase, flat_idx, axis=0).reshape(batchSize, Kp1, feature_size)
    out_fringe = jnp.matmul(weight_phase, fea_f[:, :, None])

    # use_softmax=True branch: divide by temperature
    out_fringe = out_fringe / T
    out_phase = out_phase / T

    # momentum memory update (torch: no_grad buffer index_copy_)
    f_pos = jnp.take(memory_fringe, y, axis=0) * MOMENTUM + fea_f * (1.0 - MOMENTUM)
    updated_f = f_pos / jnp.linalg.norm(f_pos, axis=1, keepdims=True)
    new_memory_fringe = memory_fringe.at[y].set(updated_f)

    p_pos = jnp.take(memory_phase, y, axis=0) * MOMENTUM + fea_p * (1.0 - MOMENTUM)
    updated_p = p_pos / jnp.linalg.norm(p_pos, axis=1, keepdims=True)
    new_memory_phase = memory_phase.at[y].set(updated_p)

    # torch returns (out_fringe, out_phase); the buffer updates are side effects, so
    # we return the updated banks explicitly in functional JAX.
    return (out_fringe, out_phase, new_memory_fringe, new_memory_phase)

if __name__ == "__main__":
    import jax
    _d = setup_inputs()
    print(jax.jit(kernel)(*tuple(_d.values())))

</pallas_src>

<mosaic_0001>
#map = affine_map<(d0, d1) -> (0, 0)>
module attributes {stable_mosaic.version = 14 : i64} {
  func.func @k(%arg0: i32, %arg1: i32, %arg2: memref<32x16384xi32, #tpu.memory_space<hbm>>, %arg3: memref<32x16384xf32, #tpu.memory_space<hbm>>, %arg4: memref<32x16384xf32, #tpu.memory_space<hbm>>, %arg5: memref<32x16384xf32, #tpu.memory_space<hbm>>, %arg6: memref<32x16384xf32, #tpu.memory_space<hbm>>, %arg7: memref<16384xi32, #tpu.memory_space<vmem>>, %arg8: memref<16384xf32, #tpu.memory_space<vmem>>, %arg9: memref<16384xf32, #tpu.memory_space<vmem>>, %arg10: memref<16384xf32, #tpu.memory_space<vmem>>, %arg11: memref<16384xf32, #tpu.memory_space<vmem>>, %arg12: memref<!tpu.dma_semaphore, #tpu.memory_space<semaphore_mem>>) attributes {dimension_semantics = [#tpu.dimension_semantics<core_parallel>, #tpu.dimension_semantics<subcore_parallel>], iteration_bounds = array<i64: 2, 16>, scalar_prefetch = 0 : i64, scratch_operands = 6 : i64, tpu.core_type = #tpu.core_type<sc_vector_subcore>, window_params = [{transform_indices = #map}, {transform_indices = #map}, {transform_indices = #map}, {transform_indices = #map}, {transform_indices = #map}]} {
    %mul3A = arith.constant 2 : i32
    %mul3A_0 = arith.muli %arg1, %mul3A : i32
    %add3A = arith.addi %mul3A_0, %arg0 : i32
    %dma_start3A = arith.constant 0 : i32
    %dma_start3A_1 = tpu.memref_slice %arg2[%add3A, %dma_start3A] : memref<32x16384xi32, #tpu.memory_space<hbm>> -> memref<1x16384xi32, #tpu.memory_space<hbm>>
    %dma_start3A_2 = tpu.memref_squeeze %dma_start3A_1 : memref<1x16384xi32, #tpu.memory_space<hbm>> -> memref<16384xi32, #tpu.memory_space<hbm>>
    %dma_start3A_3 = arith.constant 0 : i32
    %dma_start3A_4 = tpu.memref_slice %arg2[%add3A, %dma_start3A_3] : memref<32x16384xi32, #tpu.memory_space<hbm>> -> memref<1x16384xi32, #tpu.memory_space<hbm>>
    %dma_start3A_5 = tpu.memref_squeeze %dma_start3A_4 : memref<1x16384xi32, #tpu.memory_space<hbm>> -> memref<16384xi32, #tpu.memory_space<hbm>>
    tpu.enqueue_dma source(%dma_start3A_5 : memref<16384xi32, #tpu.memory_space<hbm>>) target(%arg7 : memref<16384xi32, #tpu.memory_space<vmem>>) target_semaphore(%arg12 : memref<!tpu.dma_semaphore, #tpu.memory_space<semaphore_mem>>)
    %dma_start3A_6 = arith.constant 0 : i32
    %dma_start3A_7 = tpu.memref_slice %arg3[%add3A, %dma_start3A_6] : memref<32x16384xf32, #tpu.memory_space<hbm>> -> memref<1x16384xf32, #tpu.memory_space<hbm>>
    %dma_start3A_8 = tpu.memref_squeeze %dma_start3A_7 : memref<1x16384xf32, #tpu.memory_space<hbm>> -> memref<16384xf32, #tpu.memory_space<hbm>>
    %dma_start3A_9 = arith.constant 0 : i32
    %dma_start3A_10 = tpu.memref_slice %arg3[%add3A, %dma_start3A_9] : memref<32x16384xf32, #tpu.memory_space<hbm>> -> memref<1x16384xf32, #tpu.memory_space<hbm>>
    %dma_start3A_11 = tpu.memref_squeeze %dma_start3A_10 : memref<1x16384xf32, #tpu.memory_space<hbm>> -> memref<16384xf32, #tpu.memory_space<hbm>>
    tpu.enqueue_dma source(%dma_start3A_11 : memref<16384xf32, #tpu.memory_space<hbm>>) target(%arg8 : memref<16384xf32, #tpu.memory_space<vmem>>) target_semaphore(%arg12 : memref<!tpu.dma_semaphore, #tpu.memory_space<semaphore_mem>>)
    %dma_start3A_12 = arith.constant 0 : i32
    %dma_start3A_13 = tpu.memref_slice %arg4[%add3A, %dma_start3A_12] : memref<32x16384xf32, #tpu.memory_space<hbm>> -> memref<1x16384xf32, #tpu.memory_space<hbm>>
    %dma_start3A_14 = tpu.memref_squeeze %dma_start3A_13 : memref<1x16384xf32, #tpu.memory_space<hbm>> -> memref<16384xf32, #tpu.memory_space<hbm>>
    %dma_start3A_15 = arith.constant 0 : i32
    %dma_start3A_16 = tpu.memref_slice %arg4[%add3A, %dma_start3A_15] : memref<32x16384xf32, #tpu.memory_space<hbm>> -> memref<1x16384xf32, #tpu.memory_space<hbm>>
    %dma_start3A_17 = tpu.memref_squeeze %dma_start3A_16 : memref<1x16384xf32, #tpu.memory_space<hbm>> -> memref<16384xf32, #tpu.memory_space<hbm>>
    tpu.enqueue_dma source(%dma_start3A_17 : memref<16384xf32, #tpu.memory_space<hbm>>) target(%arg9 : memref<16384xf32, #tpu.memory_space<vmem>>) target_semaphore(%arg12 : memref<!tpu.dma_semaphore, #tpu.memory_space<semaphore_mem>>)
    %dma_wait3A = arith.constant 0 : i32
    %dma_wait3A_18 = tpu.memref_slice %arg2[%add3A, %dma_wait3A] : memref<32x16384xi32, #tpu.memory_space<hbm>> -> memref<1x16384xi32, #tpu.memory_space<hbm>>
    %dma_wait3A_19 = tpu.memref_squeeze %dma_wait3A_18 : memref<1x16384xi32, #tpu.memory_space<hbm>> -> memref<16384xi32, #tpu.memory_space<hbm>>
    %dma_wait3A_20 = arith.constant 0 : i32
    %dma_wait3A_21 = tpu.memref_slice %arg2[%add3A, %dma_wait3A_20] : memref<32x16384xi32, #tpu.memory_space<hbm>> -> memref<1x16384xi32, #tpu.memory_space<hbm>>
    %dma_wait3A_22 = tpu.memref_squeeze %dma_wait3A_21 : memref<1x16384xi32, #tpu.memory_space<hbm>> -> memref<16384xi32, #tpu.memory_space<hbm>>
    tpu.wait_dma2 semaphore(%arg12 : memref<!tpu.dma_semaphore, #tpu.memory_space<semaphore_mem>>) src(%dma_wait3A_22 : memref<16384xi32, #tpu.memory_space<hbm>>) dst(%arg7 : memref<16384xi32, #tpu.memory_space<vmem>>)
    %dma_wait3A_23 = arith.constant 0 : i32
    %dma_wait3A_24 = tpu.memref_slice %arg3[%add3A, %dma_wait3A_23] : memref<32x16384xf32, #tpu.memory_space<hbm>> -> memref<1x16384xf32, #tpu.memory_space<hbm>>
    %dma_wait3A_25 = tpu.memref_squeeze %dma_wait3A_24 : memref<1x16384xf32, #tpu.memory_space<hbm>> -> memref<16384xf32, #tpu.memory_space<hbm>>
    %dma_wait3A_26 = arith.constant 0 : i32
    %dma_wait3A_27 = tpu.memref_slice %arg3[%add3A, %dma_wait3A_26] : memref<32x16384xf32, #tpu.memory_space<hbm>> -> memref<1x16384xf32, #tpu.memory_space<hbm>>
    %dma_wait3A_28 = tpu.memref_squeeze %dma_wait3A_27 : memref<1x16384xf32, #tpu.memory_space<hbm>> -> memref<16384xf32, #tpu.memory_space<hbm>>
    tpu.wait_dma2 semaphore(%arg12 : memref<!tpu.dma_semaphore, #tpu.memory_space<semaphore_mem>>) src(%dma_wait3A_28 : memref<16384xf32, #tpu.memory_space<hbm>>) dst(%arg8 : memref<16384xf32, #tpu.memory_space<vmem>>)
    %dma_wait3A_29 = arith.constant 0 : i32
    %dma_wait3A_30 = tpu.memref_slice %arg4[%add3A, %dma_wait3A_29] : memref<32x16384xf32, #tpu.memory_space<hbm>> -> memref<1x16384xf32, #tpu.memory_space<hbm>>
    %dma_wait3A_31 = tpu.memref_squeeze %dma_wait3A_30 : memref<1x16384xf32, #tpu.memory_space<hbm>> -> memref<16384xf32, #tpu.memory_space<hbm>>
    %dma_wait3A_32 = arith.constant 0 : i32
    %dma_wait3A_33 = tpu.memref_slice %arg4[%add3A, %dma_wait3A_32] : memref<32x16384xf32, #tpu.memory_space<hbm>> -> memref<1x16384xf32, #tpu.memory_space<hbm>>
    %dma_wait3A_34 = tpu.memref_squeeze %dma_wait3A_33 : memref<1x16384xf32, #tpu.memory_space<hbm>> -> memref<16384xf32, #tpu.memory_space<hbm>>
    tpu.wait_dma2 semaphore(%arg12 : memref<!tpu.dma_semaphore, #tpu.memory_space<semaphore_mem>>) src(%dma_wait3A_34 : memref<16384xf32, #tpu.memory_space<hbm>>) dst(%arg9 : memref<16384xf32, #tpu.memory_space<vmem>>)
    %scan3A = arith.constant 0 : i32
    %scan3A_35 = arith.constant 0 : i32
    %scan3A_36 = arith.constant 256 : i32
    %scan3A_37 = arith.addi %scan3A_35, %scan3A_36 : i32
    %scan3A_38 = arith.constant 1 : i32
    scf.for %scan3A_64 = %scan3A_35 to %scan3A_37 step %scan3A_38  : i32 {
      %mul3A_65 = arith.constant 64 : i32
      %mul3A_66 = arith.muli %scan3A_64, %mul3A_65 : i32
      %add3A_67 = arith.constant 0 : i32
      %add3A_68 = arith.addi %mul3A_66, %add3A_67 : i32
      %get3A = arith.index_cast %add3A_68 : i32 to index
      %get3A_69 = tpu.vector_load %arg7[%get3A] {strides = array<i32>} : memref<16384xi32, #tpu.memory_space<vmem>>, vector<16xi32>,
      %gather3A = tpu.vector_load_idx %arg8[%get3A_69] : memref<16384xf32, #tpu.memory_space<vmem>>[vector<16xi32>], vector<16xf32>,
      %swap3A = arith.index_cast %add3A_68 : i32 to index
      %swap3A_70 = tpu.vector_load %arg10[%swap3A] {strides = array<i32>} : memref<16384xf32, #tpu.memory_space<vmem>>, vector<16xf32>,
      tpu.vector_store %arg10[%swap3A], %gather3A {strides = array<i32>} : memref<16384xf32, #tpu.memory_space<vmem>>, vector<16xf32>,
      %gather3A_71 = tpu.vector_load_idx %arg9[%get3A_69] : memref<16384xf32, #tpu.memory_space<vmem>>[vector<16xi32>], vector<16xf32>,
      %swap3A_72 = arith.index_cast %add3A_68 : i32 to index
      %swap3A_73 = tpu.vector_load %arg11[%swap3A_72] {strides = array<i32>} : memref<16384xf32, #tpu.memory_space<vmem>>, vector<16xf32>,
      tpu.vector_store %arg11[%swap3A_72], %gather3A_71 {strides = array<i32>} : memref<16384xf32, #tpu.memory_space<vmem>>, vector<16xf32>,
      %add3A_74 = arith.constant 16 : i32
      %add3A_75 = arith.addi %mul3A_66, %add3A_74 : i32
      %get3A_76 = arith.index_cast %add3A_75 : i32 to index
      %get3A_77 = tpu.vector_load %arg7[%get3A_76] {strides = array<i32>} : memref<16384xi32, #tpu.memory_space<vmem>>, vector<16xi32>,
      %gather3A_78 = tpu.vector_load_idx %arg8[%get3A_77] : memref<16384xf32, #tpu.memory_space<vmem>>[vector<16xi32>], vector<16xf32>,
      %swap3A_79 = arith.index_cast %add3A_75 : i32 to index
      %swap3A_80 = tpu.vector_load %arg10[%swap3A_79] {strides = array<i32>} : memref<16384xf32, #tpu.memory_space<vmem>>, vector<16xf32>,
      tpu.vector_store %arg10[%swap3A_79], %gather3A_78 {strides = array<i32>} : memref<16384xf32, #tpu.memory_space<vmem>>, vector<16xf32>,
      %gather3A_81 = tpu.vector_load_idx %arg9[%get3A_77] : memref<16384xf32, #tpu.memory_space<vmem>>[vector<16xi32>], vector<16xf32>,
      %swap3A_82 = arith.index_cast %add3A_75 : i32 to index
      %swap3A_83 = tpu.vector_load %arg11[%swap3A_82] {strides = array<i32>} : memref<16384xf32, #tpu.memory_space<vmem>>, vector<16xf32>,
      tpu.vector_store %arg11[%swap3A_82], %gather3A_81 {strides = array<i32>} : memref<16384xf32, #tpu.memory_space<vmem>>, vector<16xf32>,
      %add3A_84 = arith.constant 32 : i32
      %add3A_85 = arith.addi %mul3A_66, %add3A_84 : i32
      %get3A_86 = arith.index_cast %add3A_85 : i32 to index
      %get3A_87 = tpu.vector_load %arg7[%get3A_86] {strides = array<i32>} : memref<16384xi32, #tpu.memory_space<vmem>>, vector<16xi32>,
      %gather3A_88 = tpu.vector_load_idx %arg8[%get3A_87] : memref<16384xf32, #tpu.memory_space<vmem>>[vector<16xi32>], vector<16xf32>,
      %swap3A_89 = arith.index_cast %add3A_85 : i32 to index
      %swap3A_90 = tpu.vector_load %arg10[%swap3A_89] {strides = array<i32>} : memref<16384xf32, #tpu.memory_space<vmem>>, vector<16xf32>,
      tpu.vector_store %arg10[%swap3A_89], %gather3A_88 {strides = array<i32>} : memref<16384xf32, #tpu.memory_space<vmem>>, vector<16xf32>,
      %gather3A_91 = tpu.vector_load_idx %arg9[%get3A_87] : memref<16384xf32, #tpu.memory_space<vmem>>[vector<16xi32>], vector<16xf32>,
      %swap3A_92 = arith.index_cast %add3A_85 : i32 to index
      %swap3A_93 = tpu.vector_load %arg11[%swap3A_92] {strides = array<i32>} : memref<16384xf32, #tpu.memory_space<vmem>>, vector<16xf32>,
      tpu.vector_store %arg11[%swap3A_92], %gather3A_91 {strides = array<i32>} : memref<16384xf32, #tpu.memory_space<vmem>>, vector<16xf32>,
      %add3A_94 = arith.constant 48 : i32
      %add3A_95 = arith.addi %mul3A_66, %add3A_94 : i32
      %get3A_96 = arith.index_cast %add3A_95 : i32 to index
      %get3A_97 = tpu.vector_load %arg7[%get3A_96] {strides = array<i32>} : memref<16384xi32, #tpu.memory_space<vmem>>, vector<16xi32>,
      %gather3A_98 = tpu.vector_load_idx %arg8[%get3A_97] : memref<16384xf32, #tpu.memory_space<vmem>>[vector<16xi32>], vector<16xf32>,
      %swap3A_99 = arith.index_cast %add3A_95 : i32 to index
      %swap3A_100 = tpu.vector_load %arg10[%swap3A_99] {strides = array<i32>} : memref<16384xf32, #tpu.memory_space<vmem>>, vector<16xf32>,
      tpu.vector_store %arg10[%swap3A_99], %gather3A_98 {strides = array<i32>} : memref<16384xf32, #tpu.memory_space<vmem>>, vector<16xf32>,
      %gather3A_101 = tpu.vector_load_idx %arg9[%get3A_97] : memref<16384xf32, #tpu.memory_space<vmem>>[vector<16xi32>], vector<16xf32>,
      %swap3A_102 = arith.index_cast %add3A_95 : i32 to index
      %swap3A_103 = tpu.vector_load %arg11[%swap3A_102] {strides = array<i32>} : memref<16384xf32, #tpu.memory_space<vmem>>, vector<16xf32>,
      tpu.vector_store %arg11[%swap3A_102], %gather3A_101 {strides = array<i32>} : memref<16384xf32, #tpu.memory_space<vmem>>, vector<16xf32>,
    }
    %scan3A_39 = arith.constant 256 : i32
    %dma_start3A_40 = arith.constant 0 : i32
    %dma_start3A_41 = tpu.memref_slice %arg5[%add3A, %dma_start3A_40] : memref<32x16384xf32, #tpu.memory_space<hbm>> -> memref<1x16384xf32, #tpu.memory_space<hbm>>
    %dma_start3A_42 = tpu.memref_squeeze %dma_start3A_41 : memref<1x16384xf32, #tpu.memory_space<hbm>> -> memref<16384xf32, #tpu.memory_space<hbm>>
    %dma_start3A_43 = arith.constant 0 : i32
    %dma_start3A_44 = tpu.memref_slice %arg5[%add3A, %dma_start3A_43] : memref<32x16384xf32, #tpu.memory_space<hbm>> -> memref<1x16384xf32, #tpu.memory_space<hbm>>
    %dma_start3A_45 = tpu.memref_squeeze %dma_start3A_44 : memref<1x16384xf32, #tpu.memory_space<hbm>> -> memref<16384xf32, #tpu.memory_space<hbm>>
    tpu.enqueue_dma source(%arg10 : memref<16384xf32, #tpu.memory_space<vmem>>) target(%dma_start3A_45 : memref<16384xf32, #tpu.memory_space<hbm>>) target_semaphore(%arg12 : memref<!tpu.dma_semaphore, #tpu.memory_space<semaphore_mem>>)
    %dma_start3A_46 = arith.constant 0 : i32
    %dma_start3A_47 = tpu.memref_slice %arg6[%add3A, %dma_start3A_46] : memref<32x16384xf32, #tpu.memory_space<hbm>> -> memref<1x16384xf32, #tpu.memory_space<hbm>>
    %dma_start3A_48 = tpu.memref_squeeze %dma_start3A_47 : memref<1x16384xf32, #tpu.memory_space<hbm>> -> memref<16384xf32, #tpu.memory_space<hbm>>
    %dma_start3A_49 = arith.constant 0 : i32
    %dma_start3A_50 = tpu.memref_slice %arg6[%add3A, %dma_start3A_49] : memref<32x16384xf32, #tpu.memory_space<hbm>> -> memref<1x16384xf32, #tpu.memory_space<hbm>>
    %dma_start3A_51 = tpu.memref_squeeze %dma_start3A_50 : memref<1x16384xf32, #tpu.memory_space<hbm>> -> memref<16384xf32, #tpu.memory_space<hbm>>
    tpu.enqueue_dma source(%arg11 : memref<16384xf32, #tpu.memory_space<vmem>>) target(%dma_start3A_51 : memref<16384xf32, #tpu.memory_space<hbm>>) target_semaphore(%arg12 : memref<!tpu.dma_semaphore, #tpu.memory_space<semaphore_mem>>)
    %dma_wait3A_52 = arith.constant 0 : i32
    %dma_wait3A_53 = tpu.memref_slice %arg5[%add3A, %dma_wait3A_52] : memref<32x16384xf32, #tpu.memory_space<hbm>> -> memref<1x16384xf32, #tpu.memory_space<hbm>>
    %dma_wait3A_54 = tpu.memref_squeeze %dma_wait3A_53 : memref<1x16384xf32, #tpu.memory_space<hbm>> -> memref<16384xf32, #tpu.memory_space<hbm>>
    %dma_wait3A_55 = arith.constant 0 : i32
    %dma_wait3A_56 = tpu.memref_slice %arg5[%add3A, %dma_wait3A_55] : memref<32x16384xf32, #tpu.memory_space<hbm>> -> memref<1x16384xf32, #tpu.memory_space<hbm>>
    %dma_wait3A_57 = tpu.memref_squeeze %dma_wait3A_56 : memref<1x16384xf32, #tpu.memory_space<hbm>> -> memref<16384xf32, #tpu.memory_space<hbm>>
    tpu.wait_dma2 semaphore(%arg12 : memref<!tpu.dma_semaphore, #tpu.memory_space<semaphore_mem>>) src(%arg10 : memref<16384xf32, #tpu.memory_space<vmem>>) dst(%dma_wait3A_57 : memref<16384xf32, #tpu.memory_space<hbm>>)
    %dma_wait3A_58 = arith.constant 0 : i32
    %dma_wait3A_59 = tpu.memref_slice %arg6[%add3A, %dma_wait3A_58] : memref<32x16384xf32, #tpu.memory_space<hbm>> -> memref<1x16384xf32, #tpu.memory_space<hbm>>
    %dma_wait3A_60 = tpu.memref_squeeze %dma_wait3A_59 : memref<1x16384xf32, #tpu.memory_space<hbm>> -> memref<16384xf32, #tpu.memory_space<hbm>>
    %dma_wait3A_61 = arith.constant 0 : i32
    %dma_wait3A_62 = tpu.memref_slice %arg6[%add3A, %dma_wait3A_61] : memref<32x16384xf32, #tpu.memory_space<hbm>> -> memref<1x16384xf32, #tpu.memory_space<hbm>>
    %dma_wait3A_63 = tpu.memref_squeeze %dma_wait3A_62 : memref<1x16384xf32, #tpu.memory_space<hbm>> -> memref<16384xf32, #tpu.memory_space<hbm>>
    tpu.wait_dma2 semaphore(%arg12 : memref<!tpu.dma_semaphore, #tpu.memory_space<semaphore_mem>>) src(%arg11 : memref<16384xf32, #tpu.memory_space<vmem>>) dst(%dma_wait3A_63 : memref<16384xf32, #tpu.memory_space<hbm>>)
    return
  }
}

module attributes {stable_mosaic.version = 14 : i64} {
  func.func @_scores_body(%arg0: i32, %arg1: memref<8192x128xf32, #tpu.memory_space<vmem>>, %arg2: memref<8192x128xf32, #tpu.memory_space<vmem>>, %arg3: memref<32x128xf32, #tpu.memory_space<vmem>>, %arg4: memref<32x128xf32, #tpu.memory_space<vmem>>, %arg5: memref<32x1xi32, #tpu.memory_space<vmem>>, %arg6: memref<32x8192xf32, #tpu.memory_space<vmem>>, %arg7: memref<32x8192xf32, #tpu.memory_space<vmem>>, %arg8: memref<32x128xf32, #tpu.memory_space<vmem>>, %arg9: memref<32x128xf32, #tpu.memory_space<vmem>>) attributes {dimension_semantics = [#tpu.dimension_semantics<arbitrary>], iteration_bounds = array<i64: 2>, scalar_prefetch = 0 : i64, scratch_operands = 0 : i64, tpu.core_type = #tpu.core_type<tc>, window_params = [{transform_indices = @transform_0, window_bounds = array<i64: 8192, 128>}, {transform_indices = @transform_1, window_bounds = array<i64: 8192, 128>}, {pipeline_mode = #tpu.pipeline_mode<synchronous>, transform_indices = @transform_2, window_bounds = array<i64: 32, 128>}, {pipeline_mode = #tpu.pipeline_mode<synchronous>, transform_indices = @transform_3, window_bounds = array<i64: 32, 128>}, {pipeline_mode = #tpu.pipeline_mode<synchronous>, transform_indices = @transform_4, window_bounds = array<i64: 32, 1>}, {transform_indices = @transform_5, window_bounds = array<i64: 32, 8192>}, {transform_indices = @transform_6, window_bounds = array<i64: 32, 8192>}, {pipeline_mode = #tpu.pipeline_mode<synchronous>, transform_indices = @transform_7, window_bounds = array<i64: 32, 128>}, {pipeline_mode = #tpu.pipeline_mode<synchronous>, transform_indices = @transform_8, window_bounds = array<i64: 32, 128>}]} {
    %get3A = arith.constant 0 : index
    %get3A_0 = arith.constant 0 : index
    %get3A_1 = vector.load %arg1[%get3A, %get3A_0] : memref<8192x128xf32, #tpu.memory_space<vmem>>, vector<8192x128xf32>
    %get3A_2 = arith.constant 0 : index
    %get3A_3 = arith.constant 0 : index
    %get3A_4 = vector.load %arg2[%get3A_2, %get3A_3] : memref<8192x128xf32, #tpu.memory_space<vmem>>, vector<8192x128xf32>
    %get3A_5 = arith.constant 0 : index
    %get3A_6 = arith.constant 0 : index
    %get3A_7 = vector.load %arg3[%get3A_5, %get3A_6] : memref<32x128xf32, #tpu.memory_space<vmem>>, vector<32x128xf32>
    %get3A_8 = arith.constant 0 : index
    %get3A_9 = arith.constant 0 : index
    %get3A_10 = vector.load %arg4[%get3A_8, %get3A_9] : memref<32x128xf32, #tpu.memory_space<vmem>>, vector<32x128xf32>
    %dot_general3A = arith.constant dense<0.000000e+00> : vector<32x8192xf32>
    %dot_general3A_11 = tpu.matmul %get3A_10, %get3A_1, %dot_general3A {dimension_numbers = #tpu.dot_dimension_numbers<[1], [1], [0], [0], [0, 0, 1, 0], [], []>, transpose_lhs_hint = false} : vector<32x128xf32>, vector<8192x128xf32>, vector<32x8192xf32> -> vector<32x8192xf32>
    %mul3A = arith.constant 14.2857141 : f32
    %mul3A_12 = vector.broadcast %mul3A : f32 to vector<32x8192xf32>
    %mul3A_13 = arith.mulf %dot_general3A_11, %mul3A_12 : vector<32x8192xf32>
    %swap3A = arith.constant 0 : index
    %swap3A_14 = arith.constant 0 : index
    %swap3A_15 = vector.load %arg6[%swap3A, %swap3A_14] : memref<32x8192xf32, #tpu.memory_space<vmem>>, vector<32x8192xf32>
    tpu.vector_store %arg6[%swap3A, %swap3A_14], %mul3A_13 {strides = array<i32>} : memref<32x8192xf32, #tpu.memory_space<vmem>>, vector<32x8192xf32>,
    %dot_general3A_16 = arith.constant dense<0.000000e+00> : vector<32x8192xf32>
    %dot_general3A_17 = tpu.matmul %get3A_7, %get3A_4, %dot_general3A_16 {dimension_numbers = #tpu.dot_dimension_numbers<[1], [1], [0], [0], [0, 0, 1, 0], [], []>, transpose_lhs_hint = false} : vector<32x128xf32>, vector<8192x128xf32>, vector<32x8192xf32> -> vector<32x8192xf32>
    %mul3A_18 = arith.constant 14.2857141 : f32
    %mul3A_19 = vector.broadcast %mul3A_18 : f32 to vector<32x8192xf32>
    %mul3A_20 = arith.mulf %dot_general3A_17, %mul3A_19 : vector<32x8192xf32>
    %swap3A_21 = arith.constant 0 : index
    %swap3A_22 = arith.constant 0 : index
    %swap3A_23 = vector.load %arg7[%swap3A_21, %swap3A_22] : memref<32x8192xf32, #tpu.memory_space<vmem>>, vector<32x8192xf32>
    tpu.vector_store %arg7[%swap3A_21, %swap3A_22], %mul3A_20 {strides = array<i32>} : memref<32x8192xf32, #tpu.memory_space<vmem>>, vector<32x8192xf32>,
    %get3A_24 = arith.constant 0 : index
    %get3A_25 = arith.constant 0 : index
    %get3A_26 = vector.load %arg5[%get3A_24, %get3A_25] : memref<32x1xi32, #tpu.memory_space<vmem>>, vector<32x1xi32>
    %mul3A_27 = arith.constant 8192 : i32
    %mul3A_28 = arith.muli %arg0, %mul3A_27 : i32
    %sub3A = vector.broadcast %mul3A_28 : i32 to vector<32x1xi32>
    %sub3A_29 = arith.subi %get3A_26, %sub3A : vector<32x1xi32>
    %iota3A = tpu.iota {dimensions = array<i32: 1>} : vector<32x8192xi32>
    %eq3A = vector.broadcast %sub3A_29 : vector<32x1xi32> to vector<32x8192xi32>
    %eq3A_30 = arith.cmpi eq, %iota3A, %eq3A : vector<32x8192xi32>
    %convert_element_type3A = arith.extui %eq3A_30 : vector<32x8192xi1> to vector<32x8192xi32>
    %convert_element_type3A_31 = arith.sitofp %convert_element_type3A : vector<32x8192xi32> to vector<32x8192xf32>
    %eq3A_32 = arith.constant 0 : i32
    %eq3A_33 = arith.cmpi eq, %arg0, %eq3A_32 : i32
    %convert_element_type3A_34 = arith.extui %eq3A_33 : i1 to i32
    %cond3A = arith.constant 0 : i32
    %cond3A_35 = arith.cmpi ne, %convert_element_type3A_34, %cond3A : i32
    scf.if %cond3A_35 {
      %mul3A_64 = arith.constant 5.000000e-01 : f32
      %mul3A_65 = vector.broadcast %mul3A_64 : f32 to vector<32x128xf32>
      %mul3A_66 = arith.mulf %mul3A_65, %get3A_7 : vector<32x128xf32>
      %swap3A_67 = arith.constant 0 : index
      %swap3A_68 = arith.constant 0 : index
      %swap3A_69 = vector.load %arg8[%swap3A_67, %swap3A_68] : memref<32x128xf32, #tpu.memory_space<vmem>>, vector<32x128xf32>
      tpu.vector_store %arg8[%swap3A_67, %swap3A_68], %mul3A_66 {strides = array<i32>} : memref<32x128xf32, #tpu.memory_space<vmem>>, vector<32x128xf32>,
      %mul3A_70 = arith.constant 5.000000e-01 : f32
      %mul3A_71 = vector.broadcast %mul3A_70 : f32 to vector<32x128xf32>
      %mul3A_72 = arith.mulf %mul3A_71, %get3A_10 : vector<32x128xf32>
      %swap3A_73 = arith.constant 0 : index
      %swap3A_74 = arith.constant 0 : index
      %swap3A_75 = vector.load %arg9[%swap3A_73, %swap3A_74] : memref<32x128xf32, #tpu.memory_space<vmem>>, vector<32x128xf32>
      tpu.vector_store %arg9[%swap3A_73, %swap3A_74], %mul3A_72 {strides = array<i32>} : memref<32x128xf32, #tpu.memory_space<vmem>>, vector<32x128xf32>,
    } else {
    }
    %get3A_36 = arith.constant 0 : index
    %get3A_37 = arith.constant 0 : index
    %get3A_38 = vector.load %arg8[%get3A_36, %get3A_37] : memref<32x128xf32, #tpu.memory_space<vmem>>, vector<32x128xf32>
    %dot_general3A_39 = arith.constant dense<0.000000e+00> : vector<32x128xf32>
    %dot_general3A_40 = tpu.matmul %convert_element_type3A_31, %get3A_1, %dot_general3A_39 {dimension_numbers = #tpu.dot_dimension_numbers<[1], [0], [0], [1], [0, 0, 1, 1], [], []>, transpose_lhs_hint = false} : vector<32x8192xf32>, vector<8192x128xf32>, vector<32x128xf32> -> vector<32x128xf32>
    %mul3A_41 = arith.constant 5.000000e-01 : f32
    %mul3A_42 = vector.broadcast %mul3A_41 : f32 to vector<32x128xf32>
    %mul3A_43 = arith.mulf %mul3A_42, %dot_general3A_40 : vector<32x128xf32>
    %add3A = arith.addf %get3A_38, %mul3A_43 : vector<32x128xf32>
    %swap3A_44 = arith.constant 0 : index
    %swap3A_45 = arith.constant 0 : index
    %swap3A_46 = vector.load %arg8[%swap3A_44, %swap3A_45] : memref<32x128xf32, #tpu.memory_space<vmem>>, vector<32x128xf32>
    tpu.vector_store %arg8[%swap3A_44, %swap3A_45], %add3A {strides = array<i32>} : memref<32x128xf32, #tpu.memory_space<vmem>>, vector<32x128xf32>,
    %get3A_47 = arith.constant 0 : index
    %get3A_48 = arith.constant 0 : index
    %get3A_49 = vector.load %arg9[%get3A_47, %get3A_48] : memref<32x128xf32, #tpu.memory_space<vmem>>, vector<32x128xf32>
    %dot_general3A_50 = arith.constant dense<0.000000e+00> : vector<32x128xf32>
    %dot_general3A_51 = tpu.matmul %convert_element_type3A_31, %get3A_4, %dot_general3A_50 {dimension_numbers = #tpu.dot_dimension_numbers<[1], [0], [0], [1], [0, 0, 1, 1], [], []>, transpose_lhs_hint = false} : vector<32x8192xf32>, vector<8192x128xf32>, vector<32x128xf32> -> vector<32x128xf32>
    %mul3A_52 = arith.constant 5.000000e-01 : f32
    %mul3A_53 = vector.broadcast %mul3A_52 : f32 to vector<32x128xf32>
    %mul3A_54 = arith.mulf %mul3A_53, %dot_general3A_51 : vector<32x128xf32>
    %add3A_55 = arith.addf %get3A_49, %mul3A_54 : vector<32x128xf32>
    %swap3A_56 = arith.constant 0 : index
    %swap3A_57 = arith.constant 0 : index
    %swap3A_58 = vector.load %arg9[%swap3A_56, %swap3A_57] : memref<32x128xf32, #tpu.memory_space<vmem>>, vector<32x128xf32>
    tpu.vector_store %arg9[%swap3A_56, %swap3A_57], %add3A_55 {strides = array<i32>} : memref<32x128xf32, #tpu.memory_space<vmem>>, vector<32x128xf32>,
    %eq3A_59 = arith.constant 1 : i32
    %eq3A_60 = arith.cmpi eq, %arg0, %eq3A_59 : i32
    %convert_element_type3A_61 = arith.extui %eq3A_60 : i1 to i32
    %cond3A_62 = arith.constant 0 : i32
    %cond3A_63 = arith.cmpi ne, %convert_element_type3A_61, %cond3A_62 : i32
    scf.if %cond3A_63 {
      %get3A_64 = arith.constant 0 : index
      %get3A_65 = arith.constant 0 : index
      %get3A_66 = vector.load %arg8[%get3A_64, %get3A_65] : memref<32x128xf32, #tpu.memory_space<vmem>>, vector<32x128xf32>
      %get3A_67 = arith.constant 0 : index
      %get3A_68 = arith.constant 0 : index
      %get3A_69 = vector.load %arg9[%get3A_67, %get3A_68] : memref<32x128xf32, #tpu.memory_space<vmem>>, vector<32x128xf32>
      %mul3A_70 = arith.mulf %get3A_66, %get3A_66 : vector<32x128xf32>
      %reduce_sum3A = arith.constant dense<0.000000e+00> : vector<32xf32>
      %reduce_sum3A_71 = vector.multi_reduction <add>, %mul3A_70, %reduce_sum3A [1] : vector<32x128xf32> to vector<32xf32>
      %broadcast_in_dim3A = vector.shape_cast %reduce_sum3A_71 : vector<32xf32> to vector<32x1xf32>
      %sqrt3A = math.sqrt %broadcast_in_dim3A : vector<32x1xf32>
      %max3A = arith.constant 1.000000e-30 : f32
      %max3A_72 = vector.broadcast %max3A : f32 to vector<32x1xf32>
      %max3A_73 = arith.maximumf %sqrt3A, %max3A_72 : vector<32x1xf32>
      %div3A = vector.broadcast %max3A_73 : vector<32x1xf32> to vector<32x128xf32>
      %div3A_74 = arith.divf %get3A_66, %div3A : vector<32x128xf32>
      %swap3A_75 = arith.constant 0 : index
      %swap3A_76 = arith.constant 0 : index
      %swap3A_77 = vector.load %arg8[%swap3A_75, %swap3A_76] : memref<32x128xf32, #tpu.memory_space<vmem>>, vector<32x128xf32>
      tpu.vector_store %arg8[%swap3A_75, %swap3A_76], %div3A_74 {strides = array<i32>} : memref<32x128xf32, #tpu.memory_space<vmem>>, vector<32x128xf32>,
      %mul3A_78 = arith.mulf %get3A_69, %get3A_69 : vector<32x128xf32>
      %reduce_sum3A_79 = arith.constant dense<0.000000e+00> : vector<32xf32>
      %reduce_sum3A_80 = vector.multi_reduction <add>, %mul3A_78, %reduce_sum3A_79 [1] : vector<32x128xf32> to vector<32xf32>
      %broadcast_in_dim3A_81 = vector.shape_cast %reduce_sum3A_80 : vector<32xf32> to vector<32x1xf32>
      %sqrt3A_82 = math.sqrt %broadcast_in_dim3A_81 : vector<32x1xf32>
      %max3A_83 = arith.constant 1.000000e-30 : f32
      %max3A_84 = vector.broadcast %max3A_83 : f32 to vector<32x1xf32>
      %max3A_85 = arith.maximumf %sqrt3A_82, %max3A_84 : vector<32x1xf32>
      %div3A_86 = vector.broadcast %max3A_85 : vector<32x1xf32> to vector<32x128xf32>
      %div3A_87 = arith.divf %get3A_69, %div3A_86 : vector<32x128xf32>
      %swap3A_88 = arith.constant 0 : index
      %swap3A_89 = arith.constant 0 : index
      %swap3A_90 = vector.load %arg9[%swap3A_88, %swap3A_89] : memref<32x128xf32, #tpu.memory_space<vmem>>, vector<32x128xf32>
      tpu.vector_store %arg9[%swap3A_88, %swap3A_89], %div3A_87 {strides = array<i32>} : memref<32x128xf32, #tpu.memory_space<vmem>>, vector<32x128xf32>,
    } else {
    }
    return
  }
  func.func @transform_0(%arg0: i32) -> (i32, i32) {
    %c0_i32 = arith.constant 0 : i32
    %c0_i32_0 = arith.constant 0 : i32
    return %arg0, %c0_i32 : i32, i32
  }
  func.func @transform_1(%arg0: i32) -> (i32, i32) {
    %c0_i32 = arith.constant 0 : i32
    %c0_i32_0 = arith.constant 0 : i32
    return %arg0, %c0_i32 : i32, i32
  }
  func.func @transform_2(%arg0: i32) -> (i32, i32) {
    %c0_i32 = arith.constant 0 : i32
    %c0_i32_0 = arith.constant 0 : i32
    %c0_i32_1 = arith.constant 0 : i32
    return %c0_i32, %c0_i32_0 : i32, i32
  }
  func.func @transform_3(%arg0: i32) -> (i32, i32) {
    %c0_i32 = arith.constant 0 : i32
    %c0_i32_0 = arith.constant 0 : i32
    %c0_i32_1 = arith.constant 0 : i32
    return %c0_i32, %c0_i32_0 : i32, i32
  }
  func.func @transform_4(%arg0: i32) -> (i32, i32) {
    %c0_i32 = arith.constant 0 : i32
    %c0_i32_0 = arith.constant 0 : i32
    %c0_i32_1 = arith.constant 0 : i32
    return %c0_i32, %c0_i32_0 : i32, i32
  }
  func.func @transform_5(%arg0: i32) -> (i32, i32) {
    %c0_i32 = arith.constant 0 : i32
    %c0_i32_0 = arith.constant 0 : i32
    return %c0_i32, %arg0 : i32, i32
  }
  func.func @transform_6(%arg0: i32) -> (i32, i32) {
    %c0_i32 = arith.constant 0 : i32
    %c0_i32_0 = arith.constant 0 : i32
    return %c0_i32, %arg0 : i32, i32
  }
  func.func @transform_7(%arg0: i32) -> (i32, i32) {
    %c0_i32 = arith.constant 0 : i32
    %c0_i32_0 = arith.constant 0 : i32
    %c0_i32_1 = arith.constant 0 : i32
    return %c0_i32, %c0_i32_0 : i32, i32
  }
  func.func @transform_8(%arg0: i32) -> (i32, i32) {
    %c0_i32 = arith.constant 0 : i32
    %c0_i32_0 = arith.constant 0 : i32
    %c0_i32_1 = arith.constant 0 : i32
    return %c0_i32, %c0_i32_0 : i32, i32
  }
}

module attributes {stable_mosaic.version = 14 : i64} {
  func.func @_update_body(%arg0: i32, %arg1: memref<8192x128xf32, #tpu.memory_space<vmem>>, %arg2: memref<8192x128xf32, #tpu.memory_space<vmem>>, %arg3: memref<32x128xf32, #tpu.memory_space<vmem>>, %arg4: memref<32x128xf32, #tpu.memory_space<vmem>>, %arg5: memref<32x1xi32, #tpu.memory_space<vmem>>, %arg6: memref<8192x128xf32, #tpu.memory_space<vmem>>, %arg7: memref<8192x128xf32, #tpu.memory_space<vmem>>) attributes {dimension_semantics = [#tpu.dimension_semantics<arbitrary>], iteration_bounds = array<i64: 2>, scalar_prefetch = 0 : i64, scratch_operands = 0 : i64, tpu.core_type = #tpu.core_type<tc>, window_params = [{transform_indices = @transform_0, window_bounds = array<i64: 8192, 128>}, {transform_indices = @transform_1, window_bounds = array<i64: 8192, 128>}, {pipeline_mode = #tpu.pipeline_mode<synchronous>, transform_indices = @transform_2, window_bounds = array<i64: 32, 128>}, {pipeline_mode = #tpu.pipeline_mode<synchronous>, transform_indices = @transform_3, window_bounds = array<i64: 32, 128>}, {pipeline_mode = #tpu.pipeline_mode<synchronous>, transform_indices = @transform_4, window_bounds = array<i64: 32, 1>}, {transform_indices = @transform_5, window_bounds = array<i64: 8192, 128>}, {transform_indices = @transform_6, window_bounds = array<i64: 8192, 128>}]} {
    %get3A = arith.constant 0 : index
    %get3A_0 = arith.constant 0 : index
    %get3A_1 = vector.load %arg1[%get3A, %get3A_0] : memref<8192x128xf32, #tpu.memory_space<vmem>>, vector<8192x128xf32>
    %get3A_2 = arith.constant 0 : index
    %get3A_3 = arith.constant 0 : index
    %get3A_4 = vector.load %arg2[%get3A_2, %get3A_3] : memref<8192x128xf32, #tpu.memory_space<vmem>>, vector<8192x128xf32>
    %get3A_5 = arith.constant 0 : index
    %get3A_6 = arith.constant 0 : index
    %get3A_7 = vector.load %arg3[%get3A_5, %get3A_6] : memref<32x128xf32, #tpu.memory_space<vmem>>, vector<32x128xf32>
    %get3A_8 = arith.constant 0 : index
    %get3A_9 = arith.constant 0 : index
    %get3A_10 = vector.load %arg4[%get3A_8, %get3A_9] : memref<32x128xf32, #tpu.memory_space<vmem>>, vector<32x128xf32>
    %get3A_11 = arith.constant 0 : index
    %get3A_12 = arith.constant 0 : index
    %get3A_13 = vector.load %arg5[%get3A_11, %get3A_12] : memref<32x1xi32, #tpu.memory_space<vmem>>, vector<32x1xi32>
    %mul3A = arith.constant 8192 : i32
    %mul3A_14 = arith.muli %arg0, %mul3A : i32
    %sub3A = vector.broadcast %mul3A_14 : i32 to vector<32x1xi32>
    %sub3A_15 = arith.subi %get3A_13, %sub3A : vector<32x1xi32>
    %iota3A = tpu.iota {dimensions = array<i32: 1>} : vector<32x8192xi32>
    %eq3A = vector.broadcast %sub3A_15 : vector<32x1xi32> to vector<32x8192xi32>
    %eq3A_16 = arith.cmpi eq, %iota3A, %eq3A : vector<32x8192xi32>
    %convert_element_type3A = arith.extui %eq3A_16 : vector<32x8192xi1> to vector<32x8192xi32>
    %convert_element_type3A_17 = arith.sitofp %convert_element_type3A : vector<32x8192xi32> to vector<32x8192xf32>
    %reshape3A = vector.shape_cast %get3A_13 : vector<32x1xi32> to vector<1x32xi32>
    %eq3A_18 = vector.broadcast %get3A_13 : vector<32x1xi32> to vector<32x32xi32>
    %eq3A_19 = vector.broadcast %reshape3A : vector<1x32xi32> to vector<32x32xi32>
    %eq3A_20 = arith.cmpi eq, %eq3A_18, %eq3A_19 : vector<32x32xi32>
    %iota3A_21 = tpu.iota {dimensions = array<i32: 1>} : vector<32x32xi32>
    %iota3A_22 = tpu.iota {dimensions = array<i32: 0>} : vector<32x32xi32>
    %gt3A = arith.cmpi sgt, %iota3A_21, %iota3A_22 : vector<32x32xi32>
    %and3A = arith.andi %eq3A_20, %gt3A : vector<32x32xi1>
    %reduce_or3A = arith.constant 1.000000e+00 : f32
    %reduce_or3A_23 = arith.constant 0.000000e+00 : f32
    %reduce_or3A_24 = vector.broadcast %reduce_or3A : f32 to vector<32x32xf32>
    %reduce_or3A_25 = vector.broadcast %reduce_or3A_23 : f32 to vector<32x32xf32>
    %reduce_or3A_26 = arith.select %and3A, %reduce_or3A_24, %reduce_or3A_25 : vector<32x32xi1>, vector<32x32xf32>
    %reduce_or3A_27 = arith.constant dense<0xFF800000> : vector<32xf32>
    %reduce_or3A_28 = vector.multi_reduction <maximumf>, %reduce_or3A_26, %reduce_or3A_27 [1] : vector<32x32xf32> to vector<32xf32>
    %reduce_or3A_29 = arith.constant 0.000000e+00 : f32
    %reduce_or3A_30 = vector.broadcast %reduce_or3A_29 : f32 to vector<32xf32>
    %reduce_or3A_31 = arith.cmpf ogt, %reduce_or3A_28, %reduce_or3A_30 : vector<32xf32>
    %broadcast_in_dim3A = vector.shape_cast %reduce_or3A_31 : vector<32xi1> to vector<32x1xi1>
    %jit3A = arith.constant 0.000000e+00 : f32
    %jit3A_32 = arith.constant 1.000000e+00 : f32
    %broadcast_in_dim3A_33 = vector.broadcast %jit3A : f32 to vector<32x1xf32>
    %broadcast_in_dim3A_34 = vector.broadcast %jit3A_32 : f32 to vector<32x1xf32>
    %select_n3A = arith.select %broadcast_in_dim3A, %broadcast_in_dim3A_33, %broadcast_in_dim3A_34 : vector<32x1xi1>, vector<32x1xf32>
    %mul3A_35 = vector.broadcast %select_n3A : vector<32x1xf32> to vector<32x8192xf32>
    %mul3A_36 = arith.mulf %convert_element_type3A_17, %mul3A_35 : vector<32x8192xf32>
    %dot_general3A = arith.constant dense<0.000000e+00> : vector<8192x128xf32>
    %dot_general3A_37 = tpu.matmul %mul3A_36, %get3A_7, %dot_general3A {dimension_numbers = #tpu.dot_dimension_numbers<[0], [0], [1], [1], [0, 1, 1, 1], [], []>, transpose_lhs_hint = false} : vector<32x8192xf32>, vector<32x128xf32>, vector<8192x128xf32> -> vector<8192x128xf32>
    %dot_general3A_38 = arith.constant dense<0.000000e+00> : vector<8192x128xf32>
    %dot_general3A_39 = tpu.matmul %mul3A_36, %get3A_10, %dot_general3A_38 {dimension_numbers = #tpu.dot_dimension_numbers<[0], [0], [1], [1], [0, 1, 1, 1], [], []>, transpose_lhs_hint = false} : vector<32x8192xf32>, vector<32x128xf32>, vector<8192x128xf32> -> vector<8192x128xf32>
    %broadcast_in_dim3A_40 = arith.constant 1.000000e+00 : f32
    %broadcast_in_dim3A_41 = vector.broadcast %broadcast_in_dim3A_40 : f32 to vector<32x128xf32>
    %dot_general3A_42 = arith.constant dense<0.000000e+00> : vector<8192x128xf32>
    %dot_general3A_43 = tpu.matmul %mul3A_36, %broadcast_in_dim3A_41, %dot_general3A_42 {dimension_numbers = #tpu.dot_dimension_numbers<[0], [0], [1], [1], [0, 1, 1, 1], [], []>, transpose_lhs_hint = false} : vector<32x8192xf32>, vector<32x128xf32>, vector<8192x128xf32> -> vector<8192x128xf32>
    %sub3A_44 = arith.constant 1.000000e+00 : f32
    %sub3A_45 = vector.broadcast %sub3A_44 : f32 to vector<8192x128xf32>
    %sub3A_46 = arith.subf %sub3A_45, %dot_general3A_43 : vector<8192x128xf32>
    %mul3A_47 = arith.mulf %get3A_1, %sub3A_46 : vector<8192x128xf32>
    %add3A = arith.addf %mul3A_47, %dot_general3A_37 : vector<8192x128xf32>
    %swap3A = arith.constant 0 : index
    %swap3A_48 = arith.constant 0 : index
    %swap3A_49 = vector.load %arg6[%swap3A, %swap3A_48] : memref<8192x128xf32, #tpu.memory_space<vmem>>, vector<8192x128xf32>
    tpu.vector_store %arg6[%swap3A, %swap3A_48], %add3A {strides = array<i32>} : memref<8192x128xf32, #tpu.memory_space<vmem>>, vector<8192x128xf32>,
    %sub3A_50 = arith.constant 1.000000e+00 : f32
    %sub3A_51 = vector.broadcast %sub3A_50 : f32 to vector<8192x128xf32>
    %sub3A_52 = arith.subf %sub3A_51, %dot_general3A_43 : vector<8192x128xf32>
    %mul3A_53 = arith.mulf %get3A_4, %sub3A_52 : vector<8192x128xf32>
    %add3A_54 = arith.addf %mul3A_53, %dot_general3A_39 : vector<8192x128xf32>
    %swap3A_55 = arith.constant 0 : index
    %swap3A_56 = arith.constant 0 : index
    %swap3A_57 = vector.load %arg7[%swap3A_55, %swap3A_56] : memref<8192x128xf32, #tpu.memory_space<vmem>>, vector<8192x128xf32>
    tpu.vector_store %arg7[%swap3A_55, %swap3A_56], %add3A_54 {strides = array<i32>} : memref<8192x128xf32, #tpu.memory_space<vmem>>, vector<8192x128xf32>,
    return
  }
  func.func @transform_0(%arg0: i32) -> (i32, i32) {
    %c0_i32 = arith.constant 0 : i32
    %c0_i32_0 = arith.constant 0 : i32
    return %arg0, %c0_i32 : i32, i32
  }
  func.func @transform_1(%arg0: i32) -> (i32, i32) {
    %c0_i32 = arith.constant 0 : i32
    %c0_i32_0 = arith.constant 0 : i32
    return %arg0, %c0_i32 : i32, i32
  }
  func.func @transform_2(%arg0: i32) -> (i32, i32) {
    %c0_i32 = arith.constant 0 : i32
    %c0_i32_0 = arith.constant 0 : i32
    %c0_i32_1 = arith.constant 0 : i32
    return %c0_i32, %c0_i32_0 : i32, i32
  }
  func.func @transform_3(%arg0: i32) -> (i32, i32) {
    %c0_i32 = arith.constant 0 : i32
    %c0_i32_0 = arith.constant 0 : i32
    %c0_i32_1 = arith.constant 0 : i32
    return %c0_i32, %c0_i32_0 : i32, i32
  }
  func.func @transform_4(%arg0: i32) -> (i32, i32) {
    %c0_i32 = arith.constant 0 : i32
    %c0_i32_0 = arith.constant 0 : i32
    %c0_i32_1 = arith.constant 0 : i32
    return %c0_i32, %c0_i32_0 : i32, i32
  }
  func.func @transform_5(%arg0: i32) -> (i32, i32) {
    %c0_i32 = arith.constant 0 : i32
    %c0_i32_0 = arith.constant 0 : i32
    return %arg0, %c0_i32 : i32, i32
  }
  func.func @transform_6(%arg0: i32) -> (i32, i32) {
    %c0_i32 = arith.constant 0 : i32
    %c0_i32_0 = arith.constant 0 : i32
    return %arg0, %c0_i32 : i32, i32
  }
}

</mosaic_0001>

<sc_bundles>
// kernel: kernel.5.cloned.1.call-start
scs
__scs_entry_jumppad:
0x0: {  	(pc) =	sbr.rel $0x88, $3  }
0x1: {  	(tag) =	ssettag $0x0;
	lr =	simm.s32 $0x1  }
0x2: {  	[smem:$0x3F9B] =	sst lr;
	_ =	strace $0xD0000000  }
0x3: {  	_ = 	snop  }
0x4: {  	_ = 	snop  }
0x5: {  	_ = 	snop  }
0x6: {  	_ = 	snop  }
0x7: {  	_ = 	snop  }
__scs_overlays_trampoline_lowered:
0x8: {  	[smem:$0x3FAA] =	sst s0  }
0x9: {  	[smem:$0x3FAB] =	sst s1  }
0xa: {  	[smem:$0x3FAC] =	sst s2  }
0xb: {  	[smem:$0x3FAD] =	sst s3  }
0xc: {  	[smem:$0x3FAE] =	sst s4  }
0xd: {  	[smem:$0x3FAF] =	sst s5  }
0xe: {  	[smem:$0x3FB0] =	sst s6  }
0xf: {  	[smem:$0x3FB1] =	sst s7  }
0x10: {  	[smem:$0x3FB2] =	sst s8  }
0x11: {  	[smem:$0x3FB3] =	sst s9;
	s0 =	simm.s32 @!p0 $0x0  }
0x12: {  	s1 =	sld [smem:$0x3F99];
	s0 =	simm.s32 @p0 $0x1  }
0x13: {  	[smem:$0x3FB4] =	sst s0;
	s0 =	simm.s32 @!p1 $0x0  }
0x14: {  	s2 =	sld [smem:$0x3F98];
	s0 =	simm.s32 @p1 $0x1  }
0x15: {  	[smem:$0x3FB5] =	sst s0;
	s0 =	simm.s32 @!p2 $0x0  }
0x16: {  	s3 =	sld [smem:$0x3FDB];
	s0 =	simm.s32 @p2 $0x1  }
0x17: {  	s4 =	simm.s32 $0x1BF5;
	[smem:$0x3FB7] =	sst s0  }
0x18: {  	s0 =	sld [smem:$0x3F9A];
	_ =	swait.ge [sflag:s4], $0x0  }
0x19: {  	s7 =	sld [smem:$0x3F9B]  }
0x1a: {  	s8 =	sadd.s32 $0xFFFFE003, lr  }
0x1b: {  	s9 =	sadd.s32 $0xFFFFFEF7, lr;
	s5 =	simm.s32 $0xFFFFFFFF;
	p2 =	slt.u32 s8, $0xFFFFF086  }
0x1c: {  	p1 =	slt.u32 s9, $0xF7A;
	s5 =	simm.s32 @!p2 $0x0  }
0x1d: {  	s5 =	simm.s32 @p1 $0x1;
	p0 =	seq.s32 s7, s2  }
0x1e: {  	s7 =	smul.u32 @!p0 $0xF7A, s2;
	p2 =	seq.s32 @!p0 s5, $0x0  }
0x1f: {  	s9 =	smul.u32 $0xF7A, s1;
	s8 =	simm.s32 @!p0 $0x1BF5;
	p2 =	por !p2, p0  }
0x20: {  	[sflag:s8] =	ssyncset.s32 @!p0 $0xFFFFF086;
	s6 =	sadd.s32 @!p0 s3, s7;
	s7 =	simm.s32 @!p0 $0x108  }
0x21: {  	s3 =	sadd.s32 s3, s9;
	s6 =	sadd.s32 @!p0 $0x88, s6;
	s7 =	simm.s32 @p2 $0x1082  }
0x22: {  	[simem:s7], [sflag:s8] =	dma.local @!p0 [hbm:s6], $0xF7A  }
0x23: {  	s9 =	sor.u32 $0xD0000000, s2;
	s6 =	simm.s32 $0x108;
	_ =	swait.ge @!p0 [sflag:s8], $0x0  }
0x24: {  	s3 =	sadd.s32 $0x88, s3;
	s6 =	simm.s32 @!p1 $0x1082;
	[sflag:s4] =	ssyncset.s32 $0xFFFFF086  }
0x25: {  	[simem:s6], [sflag:s4] =	dma.local [hbm:s3], $0xF7A  }
0x26: {  	[smem:$0x3F9B] =	sst s1;
	(tag) =	ssettag s2;
	_ =	strace s9  }
0x27: {  	s1 =	sld [smem:$0x3FAB]  }
0x28: {  	s2 =	sld [smem:$0x3FAC]  }
0x29: {  	s4 =	sld [smem:$0x3FAE]  }
0x2a: {  	p0 =	seq.s32 s5, $0x0;
	s5 =	sld [smem:$0x3FAF]  }
0x2b: {  	s6 =	sld [smem:$0x3FB0]  }
0x2c: {  	s7 =	sld [smem:$0x3FB1]  }
0x2d: {  	s3 =	simm.s32 $0x108;
	s8 =	sld [smem:$0x3FB2]  }
0x2e: {  	s3 =	simm.s32 @!p0 $0x1082;
	s9 =	sld [smem:$0x3FB3]  }
0x2f: {  	lr =	sadd.s32 s0, s3;
	s0 =	sld [smem:$0x3FAA]  }
0x30: {  	s3 =	sld [smem:$0x3FAD]  }
0x31: {  	[smem:$0x3FB6] =	sst s10  }
0x32: {  	s10 =	sld [smem:$0x3FB4];
	_ =	sdelay $0x3  }
0x33: {  	p0 =	seq.s32 s10, $0x1;
	s10 =	sld [smem:$0x3FB6];
	_ =	sdelay $0x3  }
0x34: {  	[smem:$0x3FB6] =	sst s10  }
0x35: {  	s10 =	sld [smem:$0x3FB5];
	_ =	sdelay $0x3  }
0x36: {  	p1 =	seq.s32 s10, $0x1;
	s10 =	sld [smem:$0x3FB6];
	_ =	sdelay $0x3  }
0x37: {  	[smem:$0x3FB6] =	sst s10  }
0x38: {  	s10 =	sld [smem:$0x3FB7]  }
0x39: {  	_ = 	snop;
	(pc) =	sbr.ind lr, $3  }
0x3a: {  	_ = 	snop  }
0x3b: {  	_ = 	snop  }
0x3c: {  	p2 =	seq.s32 s10, $0x1;
	s10 =	sld [smem:$0x3FB6]  }
0x3d: {  	_ =	shalt  }
0x3e: {  	_ =	shalt  }
0x3f: {  	_ =	shalt  }
0x40: {  	_ =	shalt  }
0x41: {  	_ =	shalt  }
0x42: {  	_ =	shalt  }
0x43: {  	_ =	shalt  }
0x44: {  	_ =	shalt  }
0x45: {  	_ =	shalt  }
0x46: {  	_ =	shalt  }
0x47: {  	_ =	shalt  }
0x48: {  	_ =	shalt  }
0x49: {  	_ =	shalt  }
0x4a: {  	_ =	shalt  }
0x4b: {  	_ =	shalt  }
0x4c: {  	_ =	shalt  }
0x4d: {  	_ =	shalt  }
0x4e: {  	_ =	shalt  }
0x4f: {  	_ =	shalt  }
0x50: {  	_ =	shalt  }
0x51: {  	_ =	shalt  }
0x52: {  	_ =	shalt  }
0x53: {  	_ =	shalt  }
0x54: {  	_ =	shalt  }
0x55: {  	_ =	shalt  }
0x56: {  	_ =	shalt  }
0x57: {  	_ =	shalt  }
0x58: {  	_ =	shalt  }
0x59: {  	_ =	shalt  }
0x5a: {  	_ =	shalt  }
0x5b: {  	_ =	shalt  }
0x5c: {  	_ =	shalt  }
0x5d: {  	_ =	shalt  }
0x5e: {  	_ =	shalt  }
0x5f: {  	_ =	shalt  }
0x60: {  	_ =	shalt  }
0x61: {  	_ =	shalt  }
0x62: {  	_ =	shalt  }
0x63: {  	_ =	shalt  }
0x64: {  	_ =	shalt  }
0x65: {  	_ =	shalt  }
0x66: {  	_ =	shalt  }
0x67: {  	_ =	shalt  }
0x68: {  	_ =	shalt  }
0x69: {  	_ =	shalt  }
0x6a: {  	_ =	shalt  }
0x6b: {  	_ =	shalt  }
0x6c: {  	_ =	shalt  }
0x6d: {  	_ =	shalt  }
0x6e: {  	_ =	shalt  }
0x6f: {  	_ =	shalt  }
0x70: {  	_ =	shalt  }
0x71: {  	_ =	shalt  }
0x72: {  	_ =	shalt  }
0x73: {  	_ =	shalt  }
0x74: {  	_ =	shalt  }
0x75: {  	_ =	shalt  }
0x76: {  	_ =	shalt  }
0x77: {  	_ =	shalt  }
0x78: {  	_ =	shalt  }
0x79: {  	_ =	shalt  }
0x7a: {  	_ =	shalt  }
0x7b: {  	_ =	shalt  }
0x7c: {  	_ =	shalt  }
0x7d: {  	_ =	shalt  }
0x7e: {  	_ =	shalt  }
0x7f: {  	_ =	shalt  }
0x80: {  	_ =	shalt  }
0x81: {  	_ =	shalt  }
0x82: {  	_ =	shalt  }
0x83: {  	_ =	shalt  }
0x84: {  	_ =	shalt  }
0x85: {  	_ =	shalt  }
0x86: {  	_ =	shalt  }
0x87: {  	_ =	shalt  }
.Lfunc_end0:
.L_simem_size_0:
called_computation_lowered:
.L_overlay_start_0:
0x88: {  	s2 =	sld [smem:$0x3FD9]  }
0x89: {  	s3 =	sld [smem:$0x3FFE];
	_ =	sdelay $0x1  }
0x8a: {  	s1 =	srdreg.scid  }
0x8b: {  	s0 =	sand.u32 $0x1, s1  }
0x8c: {  	s14 =	sshll.u32 s0, $0xA;
	s2 =	sadd.s32 s3, s2  }
0x8d: {  	s2 =	sadd.s32 s2, s14  }
0x8e: {  	[smem:$0x3FC2] =	sst s2  }
0x8f: {  	_ = 	snop  }
0x90: {  	s2 =	sld [smem:$0x3FD0];
	_ =	sdelay $0x2  }
0x91: {  	s4 =	simm.s32 $0xA;
	s5 =	simm.s32 $0x10;
	s15 =	sld [smem:$0x3FC6]  }
0x92: {  	[smem:s5], [sflag:s4] =	dma.local [hbm:s2], $0x1  }
0x93: {  	_ =	swait.eq [sflag:s4], $0x1  }
0x94: {  	[sflag:s4] =	ssyncset.done $0x0  }
0x95: {  	s16 =	sld [smem:$0x10];
	[sflag:s4] =	ssyncadd.s32 $0xFFFFFFFF  }
0x96: {  	s17 =	sld [smem:$0x11];
	(tm) =	ssettm $0x1  }
0x97: {  	s18 =	sld [smem:$0x3FFB];
	_ =	sdelay $0x3  }
0x98: {  	_ =	strace s18  }
0x99: {  	s5 =	sld [smem:$0x3FFC];
	_ =	sdelay $0x3  }
0x9a: {  	_ =	strace s5  }
0x9b: {  	s5 =	sld [smem:$0x3FFD];
	_ =	sdelay $0x3  }
0x9c: {  	_ =	strace s5  }
0x9d: {  	_ =	strace $0x8FFFFFFF  }
0x9e: {  	s19 =	sld [smem:$0x3FDB];
	_ =	sdelay $0x1  }
0x9f: {  	s6 =	simm.s32 $_scs_section_size  }
0xa0: {  	s7 =	simm.s32 $_size__tile_overlayer_lowered;
	s8 =	simm.s32 $_tile_overlayer_lowered  }
0xa1: {  	s22 =	simm.s32 $0x1BFF;
	s21 =	sshll.u32 s8, $0x1;
	s5 =	sadd.s32 s6, s19  }
0xa2: {  	s9 =	simm.s32 $0x0;
	s20 =	sshll.u32 s7, $0x1;
	s7 =	sadd.s32 s21, s5  }
0xa3: {  	[timem:s9], [sflag:s22] =	dma.local [hbm:s7], s20  }
0xa4: {  	_ =	swait.ge [sflag:s22], s20  }
0xa5: {  	s6 =	ssub.s32 $0x0, s20;
	[sflag:s22] =	ssyncset.done $0x0  }
0xa6: {  	[sflag:s22] =	ssyncadd.s32 s6;
	_ =	sdelay $0x1  }
0xa7: {  	s23 =	simm.s32 $0x1B8B  }
0xa8: {  	_ =	swait.ge [sflag:s23], $0x1  }
0xa9: {  	[sflag:s23] =	ssyncset.done $0x0  }
0xaa: {  	s25 =	simm.s32 $0x1B8E;
	s24 =	sld [smem:$0x3FFE];
	[sflag:s23] =	ssyncadd.s32 $0xFFFFFFFF  }
0xab: {  	s26 =	simm.s32 $execute0_lowered;
	[smem:$0x3FD2] =	sst s25  }
0xac: {  	s7 =	sshll.u32 s26, $0x1;
	_ =	strace $0x80000046;
	[dreg:$0x1] =	wrdreg $0xFFFFFFFF  }
0xad: {  	s28 =	simm.s32 $_size_execute0_lowered;
	s5 =	sadd.s32 s5, s7;
	[dreg:$0x0] =	wrdreg $0x0  }
0xae: {  	s7 =	sshll.u32 s28, $0x1;
	[dreg:$0x2] =	wrdreg s5  }
0xaf: {  	[dreg:$0x3] =	wrdreg s7  }
0xb0: {  	[dreg:$0x4] =	wrdreg $0xC0  }
0xb1: {  	_ =	task [dreg:s9], $0x5FFFF  }
0xb2: {  	[dreg:$0x1] =	wrdreg $0xFFFFFFFF  }
0xb3: {  	[dreg:$0x0] =	wrdreg $0x60  }
0xb4: {  	[dreg:$0x2] =	wrdreg s15  }
0xb5: {  	[dreg:$0x3] =	wrdreg s17  }
0xb6: {  	[dreg:$0x4] =	wrdreg s16  }
0xb7: {  	[dreg:$0x5] =	wrdreg s24  }
0xb8: {  	[dreg:$0x6] =	wrdreg $0x9  }
0xb9: {  	_ =	task.clear_ibuf [dreg:s9], $0x7FFFF;
	_ =	strace $0x90000046  }
0xba: {  	s29 =	simm.s32 $0x9;
	_ =	strace $0x80000048  }
0xbb: {  	_ =	swait.ge [sflag:s29], $0x1  }
0xbc: {  	[sflag:s29] =	ssyncadd.s32 $0xFFFFFFFF  }
0xbd: {  	_ =	strace $0x90000048  }
0xbe: {  	_ =	sfence  }
0xbf: {  	s30 =	sld [smem:$0x0];
	_ =	sdelay $0x2  }
0xc0: {  	s31 =	sshll.u32 s1, $0xD;
	s1 =	sshrl.u32 s1, $0x2  }
0xc1: {  	s3 =	sand.u32 $0x4000, s31;
	s1 =	sadd.s32 s1, s30  }
0xc2: {  	s0 =	sor.u32 s3, s0;
	s1 =	sshll.u32 s1, $0x11  }
0xc3: {  	s0 =	sor.u32 s1, s0  }
0xc4: {  	s0 =	sadd.s32 $0x8F2B, s0  }
0xc5: {  	[sflag:s0] =	ssyncadd.remote.s32 $0x1  }
0xc6: {  	_ =	sfence.sel $0xFFFF  }
0xc7: {  	[dreg:$0x0] =	wrdreg $0xFFFFFFFF;
	(pc) =	sbr.abs _section_cstart, $3  }
0xc8: {  	[dreg:$0x1] =	wrdreg $0xFFFFFFFF  }
0xc9: {  	_ =	task.clear_ibuf [dreg:s9], $0x2FFFF;
	_ =	strace $0x9FFFFFFF  }
0xca: {  	(tm) =	ssettm $0x7FFFFFFF  }
0xcb: {  	_ =	shalt  }
tec
execute0_lowered:
.L_overlay_start_1:
0x0: {  	(tag) =	ssettag $0x1  }
0x1: {  	s3 =	rddreg [dreg:$0x0]  }
0x2: {  	s4 =	rddreg [dreg:$0x1]  }
0x3: {  	s5 =	rddreg [dreg:$0x2]  }
0x4: {  	s6 =	rddreg [dreg:$0x3]  }
0x5: {  	s2 =	srdreg.scid;
	s1 =	stileid.u32  }
0x6: {  	s0 =	rddreg [dreg:$0x4];
	s11 =	simm.s32 $0x4000;
	s12 =	simm.s32 $0x8000  }
0x7: {  	s13 =	simm.s32 $0x1;
	s14 =	simm.s32 $0xC000;
	s15 =	simm.s32 $0x10000  }
0x8: {  	s16 =	simm.s32 $0x0;
	s7 =	sand.u32 $0x1, s2;
	s29 =	sshll.u32 s1, $0x5  }
0x9: {  	s8 =	sshll.u32 s1, $0xC;
	s2 =	simm.s32 $0x0;
	s9 =	sshll.u32 s7, $0x4  }
0xa: {  	s10 =	sand.u32 $0x60, s29;
	s8 =	sand.u32 $0xC000, s8;
	[smem:$0x7FF] =	sst s2  }
0xb: {  	s7 =	ssub.s32 $0x2, s7;
	s9 =	sor.u32 s9, s10;
	_ =	strace $0x80000047  }
0xc: {  	s30 =	sshrl.u32 s7, $0x1;
	s10 =	simm.s32 $0x400;
	s8 =	sor.u32 s8, s9  }
0xd: {  	s31 =	ssub.s32 s7, s30;
	s9 =	sadd.s32 s8, s6;
	s3 =	sadd.s32 s3, s8  }
0xe: {  	s4 =	sadd.s32 s4, s8;
	s5 =	sadd.s32 s5, s8;
	s8 =	smax.u32 s31, $0x1  }
0xf: {  	s6 =	sadd.s32 $0x12A00, s9;
	s7 =	sadd.s32 $0x2A00, s9;
	s9 =	simm.s32 $0x80  }
.LBB2_1:
0x10: {  	[tilespmem:s2], [sflag:$0x1] =	stream.strided.gather [hbm4b:s3+s9], $0x4000, s10, s9, $0x38;
	[tilespmem:$0x14000] =	vst v63  }
0x11: {  	_ = 	snop  }
0x12: {  	[tilespmem:s11], [sflag:$0x1] =	stream.strided.gather [hbm4b:s4+s9], $0x4000, s10, s9, $0x38;
	[tilespmem:$0x14000] =	vst v63  }
0x13: {  	_ = 	snop  }
0x14: {  	[tilespmem:s12], [sflag:$0x1] =	stream.strided.gather [hbm4b:s5+s9], $0x4000, s10, s9, $0x38;
	[tilespmem:$0x14000] =	vst v63  }
0x15: {  	_ =	swait.ge [sflag:s13], $0x4000  }
0x16: {  	[sflag:s13] =	ssyncset.done $0x0  }
0x17: {  	[sflag:s13] =	ssyncadd.s32 $0xFFFFC000  }
0x18: {  	_ =	swait.ge [sflag:s13], $0x4000  }
0x19: {  	[sflag:s13] =	ssyncset.done $0x0  }
0x1a: {  	[sflag:s13] =	ssyncadd.s32 $0xFFFFC000  }
0x1b: {  	_ =	swait.ge [sflag:s13], $0x4000  }
0x1c: {  	[sflag:s13] =	ssyncset.done $0x0  }
0x1d: {  	s17 =	simm.s32 $0x0;
	[sflag:s13] =	ssyncadd.s32 $0xFFFFC000  }
0x1e: {  	v0 =	vld [tilespmem:s17+$0x0];
	_ =	sdelay $0x7  }
0x1f: {  	v1 =	vld.idx.msk [tilespmem:v0+s11+$0x0], $0xffff;
	_ =	sdelay $0x4  }
0x20: {  	[tilespmem:s17+$0xC000] =	vst v1;
	v1 =	vld [tilespmem:s17+$0x10];
	_ =	sdelay $0x1  }
0x21: {  	v0 =	vld.idx.msk [tilespmem:v0+s12+$0x0], $0xffff;
	_ =	sdelay $0x4  }
0x22: {  	[tilespmem:s17+$0x10000] =	vst v0  }
0x23: {  	v0 =	vld.idx.msk [tilespmem:v1+s11+$0x0], $0xffff;
	_ =	sdelay $0x3  }
0x24: {  	v2 =	vld [tilespmem:s17+$0x20]  }
0x25: {  	[tilespmem:s17+$0xC010] =	vst v0  }
0x26: {  	v0 =	vld.idx.msk [tilespmem:v1+s12+$0x0], $0xffff;
	_ =	sdelay $0x4  }
0x27: {  	[tilespmem:s17+$0x10010] =	vst v0  }
0x28: {  	v0 =	vld.idx.msk [tilespmem:v2+s11+$0x0], $0xffff;
	_ =	sdelay $0x4  }
0x29: {  	[tilespmem:s17+$0xC020] =	vst v0;
	v0 =	vld [tilespmem:s17+$0x30];
	_ =	sdelay $0x1  }
0x2a: {  	v1 =	vld.idx.msk [tilespmem:v2+s12+$0x0], $0xffff;
	_ =	sdelay $0x4  }
0x2b: {  	[tilespmem:s17+$0x10020] =	vst v1  }
0x2c: {  	v1 =	vld.idx.msk [tilespmem:v0+s11+$0x0], $0xffff;
	_ =	sdelay $0x3  }
0x2d: {  	s19 =	simm.s32 $0x40;
	s18 =	simm.s32 $0x200  }
.LBB2_2:
0x2e: {  	p0 =	sne.s32 s18, $0xFF00;
	v2 =	vld [tilespmem:s19+$0x0];
	[tilespmem:s17+$0xC030] =	vst v1  }
0x2f: {  	v0 =	vld.idx.msk [tilespmem:v0+s12+$0x0], $0xffff;
	_ =	sdelay $0x5  }
0x30: {  	[tilespmem:s17+$0x10030] =	vst v0;
	s17 =	smov.u32 s19  }
0x31: {  	v0 =	vld.idx.msk [tilespmem:v2+s11+$0x0], $0xffff;
	_ =	sdelay $0x5  }
0x32: {  	[tilespmem:s17+$0xC000] =	vst v0;
	v0 =	vld [tilespmem:s17+$0x10]  }
0x33: {  	v1 =	vld.idx.msk [tilespmem:v2+s12+$0x0], $0xffff;
	_ =	sdelay $0x5  }
0x34: {  	[tilespmem:s17+$0x10000] =	vst v1  }
0x35: {  	v1 =	vld.idx.msk [tilespmem:v0+s11+$0x0], $0xffff;
	_ =	sdelay $0x5  }
0x36: {  	[tilespmem:s17+$0xC010] =	vst v1;
	v1 =	vld [tilespmem:s17+$0x20]  }
0x37: {  	v0 =	vld.idx.msk [tilespmem:v0+s12+$0x0], $0xffff;
	_ =	sdelay $0x5  }
0x38: {  	[tilespmem:s17+$0x10010] =	vst v0  }
0x39: {  	v0 =	vld.idx.msk [tilespmem:v1+s11+$0x0], $0xffff;
	_ =	sdelay $0x5  }
0x3a: {  	[tilespmem:s17+$0xC020] =	vst v0;
	v0 =	vld [tilespmem:s17+$0x30]  }
0x3b: {  	v1 =	vld.idx.msk [tilespmem:v1+s12+$0x0], $0xffff;
	_ =	sdelay $0x5  }
0x3c: {  	[tilespmem:s17+$0x10020] =	vst v1  }
0x3d: {  	v1 =	vld.idx.msk [tilespmem:v0+s11+$0x0], $0xffff  }
.Ltmp0:
0x3e: {  	(pc) =	sbr.rel @p0 .LBB2_2-.Ltmp0, $2  }
0x3f: {  	_ =	sdelay $0x2  }
0x40: {  	s19 =	sshra.s32 s18, $0x2;
	s18 =	sadd.s32 $0x100, s18  }
0x41: {  	_ =	sdelay $0x1  }
0x42: {  	v2 =	vld [tilespmem:s19+$0x0]  }
0x43: {  	[tilespmem:s17+$0xC030] =	vst v1  }
0x44: {  	v0 =	vld.idx.msk [tilespmem:v0+s12+$0x0], $0xffff;
	_ =	sdelay $0x4  }
0x45: {  	[tilespmem:s17+$0x10030] =	vst v0  }
0x46: {  	v0 =	vld.idx.msk [tilespmem:v2+s11+$0x0], $0xffff;
	_ =	sdelay $0x3  }
0x47: {  	v61 =	vld [tilespmem:s19+$0x10]  }
0x48: {  	[tilespmem:s19+$0xC000] =	vst v0  }
0x49: {  	v1 =	vld.idx.msk [tilespmem:v2+s12+$0x0], $0xffff;
	_ =	sdelay $0x4  }
0x4a: {  	[tilespmem:s19+$0x10000] =	vst v1  }
0x4b: {  	v1 =	vld.idx.msk [tilespmem:v61+s11+$0x0], $0xffff;
	_ =	sdelay $0x3  }
0x4c: {  	v62 =	vld [tilespmem:s19+$0x20]  }
0x4d: {  	[tilespmem:s19+$0xC010] =	vst v1  }
0x4e: {  	v0 =	vld.idx.msk [tilespmem:v61+s12+$0x0], $0xffff;
	_ =	sdelay $0x4  }
0x4f: {  	[tilespmem:s19+$0x10010] =	vst v0  }
0x50: {  	v0 =	vld.idx.msk [tilespmem:v62+s11+$0x0], $0xffff;
	_ =	sdelay $0x3  }
0x51: {  	v63 =	vld [tilespmem:s19+$0x30]  }
0x52: {  	[tilespmem:s19+$0xC020] =	vst v0  }
0x53: {  	v1 =	vld.idx.msk [tilespmem:v62+s12+$0x0], $0xffff;
	_ =	sdelay $0x4  }
0x54: {  	[tilespmem:s19+$0x10020] =	vst v1  }
0x55: {  	v1 =	vld.idx.msk [tilespmem:v63+s11+$0x0], $0xffff;
	_ =	sdelay $0x4  }
0x56: {  	[tilespmem:s19+$0xC030] =	vst v1  }
0x57: {  	v0 =	vld.idx.msk [tilespmem:v63+s12+$0x0], $0xffff;
	_ =	sdelay $0x4  }
0x58: {  	[tilespmem:s19+$0x10030] =	vst v0  }
0x59: {  	[hbm4b:s6+s9] =	stream.strided.scatter [tilespmem:s14], [sflag:$0x1], $0x4000, s10, s9, $0x38;
	[tilespmem:$0x14000] =	vst v63  }
0x5a: {  	s16 =	sadd.s32 $0x1, s16  }
0x5b: {  	[hbm4b:s7+s9] =	stream.strided.scatter [tilespmem:s15], [sflag:$0x1], $0x4000, s10, s9, $0x38;
	[tilespmem:$0x14000] =	vst v63  }
0x5c: {  	p0 =	sne.s32 s16, s8;
	_ =	swait.ge [sflag:s13], $0x4000  }
.Ltmp1:
0x5d: {  	[sflag:s13] =	ssyncset.done $0x0;
	(pc) =	sbr.rel @p0 .LBB2_1-.Ltmp1, $4  }
0x5e: {  	[sflag:s13] =	ssyncadd.s32 $0xFFFFC000  }
0x5f: {  	_ =	swait.ge [sflag:s13], $0x4000  }
0x60: {  	[sflag:s13] =	ssyncset.done $0x0  }
0x61: {  	[sflag:s13] =	ssyncadd.s32 $0xFFFFC000  }
0x62: {  	_ =	sfence.sel $0x180000  }
0x63: {  	[bflag:$0x0] =	sbarrier.arrive $0xFFFF  }
0x64: {  	p0 =	sne.s32 s1, $0x0;
	_ =	strace $0x90000047  }
0x65: {  	s0 =	sadd.s32 @!p0 $0x100000, s0;
	[bflag:$0x2] =	sbarrier.arrive $0xFFFF  }
0x66: {  	[sflag:s0] =	ssyncadd.tile.s32 @!p0 $0x1;
	_ =	shalt  }
.Lfunc_end2:
_tile_overlayer_lowered:
.L_overlay_start_2:
0x67: {  	(tag) =	ssettag $0x2  }
0x68: {  	s0 =	rddreg [dreg:$0x0];
	s2 =	stileid.u32  }
0x69: {  	s1 =	rddreg [dreg:$0x1];
	p0 =	sne.s32 s2, $0x0  }
0x6a: {  	s3 =	rddreg [dreg:$0x2];
	[bflag:$0x3] =	sbarrier.arrive $0xFFFF;
	s2 =	simm.s32 @!p0 $0x1C02  }
0x6b: {  	[timem:s3], [sflag:s2] =	dma.local @!p0 [hbm:s0], s1  }
0x6c: {  	s0 =	simm.s32 @!p0 $0x2  }
0x6d: {  	_ =	swait.ge @!p0 [sflag:s0], s1  }
0x6e: {  	s1 =	ssub.s32 @!p0 $0x0, s1;
	[sflag:s0] =	ssyncset.done @!p0 $0x0  }
0x6f: {  	[sflag:s0] =	ssyncadd.s32 @!p0 s1  }
0x70: {  	[bflag:$0x3] =	sbarrier.arrive $0xFFFF  }
0x71: {  	_ =	shalt  }

</sc_bundles>
